<compile_context>
chip_gen: v7x
topology: tpu7x:2x2x1
jax: 0.10.2.dev20260603
libtpu: 0.0.44.dev20260713+nightly
codegen_flags: <defaults>
</compile_context>

<pallas_src>
import functools

import jax
import jax.numpy as jnp
from jax import lax
from jax.experimental import pallas as pl
from jax.experimental.pallas import tpu as pltpu
from jax.experimental.pallas import tpu_sc as plsc

_NUM_TABLES = 26
_VOCAB = 100000
_DIM = 16
_NUM_IDX = 16384
_NC = 2
_NS = 16
_BINS = 102400
_VBLK = 12800
_NBLK = _BINS // _VBLK


def _sc_hist_body(lsi_hbm, out_hbm, idx_v, counts_v, sem):
    k = lax.axis_index("s") * _NC + lax.axis_index("c")

    @pl.when(k < _NUM_TABLES)
    def _():
        h = pltpu.async_copy(lsi_hbm.at[k, pl.ds(0, _NUM_IDX)], idx_v, sem)

        zeros = jnp.zeros((16,), jnp.int32)

        def _zero(j, _):
            for u in range(8):
                counts_v[pl.ds((j * 8 + u) * 16, 16)] = zeros
            return 0

        lax.fori_loop(0, _BINS // 16 // 8, _zero, 0)
        h.wait()

        def _hist(j, _):
            vs = [idx_v[pl.ds((j * 8 + u) * 16, 16)] for u in range(8)]
            cls = [plsc.scan_count(v) for v in vs]
            for v, (cnt, last) in zip(vs, cls):
                plsc.addupdate_scatter(counts_v, [v], cnt, mask=last)
            return 0

        lax.fori_loop(0, _NUM_IDX // 16 // 8, _hist, 0)
        pltpu.sync_copy(counts_v, out_hbm.at[pl.ds(k * _BINS, _BINS)])


_sc_hist = functools.partial(
    pl.kernel,
    mesh=plsc.VectorSubcoreMesh(core_axis_name="c", subcore_axis_name="s"),
    out_type=jax.ShapeDtypeStruct((_NUM_TABLES * _BINS,), jnp.int32),
    compiler_params=pltpu.CompilerParams(
        use_tc_tiling_on_sc=False, needs_layout_passes=False),
    scratch_types=[
        pltpu.VMEM((_NUM_IDX,), jnp.int32),
        pltpu.VMEM((_BINS,), jnp.int32),
        pltpu.SemaphoreType.DMA,
    ],
)(_sc_hist_body)


def _tc_body(cnt_ref, tt_ref, out_ref):
    tb = tt_ref[0]
    acc = jnp.zeros((_DIM,), jnp.float32)
    for r in range(_NBLK):
        lo = r * _VBLK
        hi = min((r + 1) * _VBLK, _VOCAB)
        cbr = cnt_ref[pl.ds(lo, hi - lo)]
        acc += jnp.sum(tb[:, lo:hi] * cbr.astype(jnp.float32), axis=1)
    out_ref[0, 0, :] = acc


_tc_reduce = pl.pallas_call(
    _tc_body,
    grid=(_NUM_TABLES,),
    in_specs=[
        pl.BlockSpec((_BINS,), lambda k: (k,)),
        pl.BlockSpec((1, _DIM, _VOCAB), lambda k: (k, 0, 0)),
    ],
    out_specs=pl.BlockSpec((1, 1, _DIM), lambda k: (k, 0, 0)),
    out_shape=jax.ShapeDtypeStruct((_NUM_TABLES, 1, _DIM), jnp.float32),
    compiler_params=pltpu.CompilerParams(
        dimension_semantics=("arbitrary",)),
)


@jax.jit
def _run(lS_i, tables):
    tt = jnp.swapaxes(tables, 1, 2)
    counts = _sc_hist(lS_i)
    out = _tc_reduce(counts, tt)
    return out.reshape(_NUM_TABLES, _DIM)


def kernel(lS_o, lS_i, tables):
    out = _run(lS_i, tables)
    return tuple(out[k:k + 1] for k in range(_NUM_TABLES))

# --- scband reference (transcript-rebuilt; emitter-appended) ---
"""Pipeline reference for scband-embedding-table-group-10342281249257 (READ-ONLY COPY).

The authoritative reference and input builder live on the scoring server;
editing this copy changes nothing except your own understanding.
"""

import jax, jax.numpy as jnp
import numpy as np

NUM_TABLES = 26
VOCAB = 100000
DIM = 16
NUM_IDX = 16384


def setup_inputs(seed: int = 0) -> dict:
    key = jax.random.key(seed)
    k1, k2 = jax.random.split(key)
    lS_i = jax.random.randint(k1, (NUM_TABLES, NUM_IDX), 0, VOCAB, dtype=jnp.int32)
    lS_o = jnp.zeros((NUM_TABLES, 1), dtype=jnp.int32)
    bound = float(np.sqrt(1.0 / VOCAB))
    tables = jax.random.uniform(k2, (NUM_TABLES, VOCAB, DIM), dtype=jnp.float32, minval=-bound, maxval=bound)
    return {"lS_o": lS_o, "lS_i": lS_i, "tables": tables}


def _embedding_bag_sum(table, indices, offsets):
    # nn.EmbeddingBag(mode='sum'): gather rows then segment-sum by offset-defined bags
    gathered = jnp.take(table, indices, axis=0)
    seg = jnp.searchsorted(offsets, jnp.arange(indices.shape[0]), side='right') - 1
    return jax.ops.segment_sum(gathered, seg, num_segments=offsets.shape[0])


def reference(lS_o, lS_i, tables):
    ly = []
    for k in range(tables.shape[0]):
        ly.append(_embedding_bag_sum(tables[k], lS_i[k], lS_o[k]))
    return tuple(ly)

if __name__ == "__main__":
    import jax
    _d = setup_inputs()
    print(jax.jit(kernel)(*tuple(_d.values())))

</pallas_src>

<mosaic_0001>
#map = affine_map<(d0, d1) -> (0, 0)>
#map1 = affine_map<(d0, d1) -> (0)>
module attributes {stable_mosaic.version = 14 : i64} {
  func.func @_sc_hist_body(%arg0: i32, %arg1: i32, %arg2: memref<26x16384xi32, #tpu.memory_space<hbm>>, %arg3: memref<2662400xi32, #tpu.memory_space<hbm>>, %arg4: memref<16384xi32, #tpu.memory_space<vmem>>, %arg5: memref<102400xi32, #tpu.memory_space<vmem>>, %arg6: memref<!tpu.dma_semaphore, #tpu.memory_space<semaphore_mem>>) attributes {dimension_semantics = [#tpu.dimension_semantics<core_parallel>, #tpu.dimension_semantics<subcore_parallel>], iteration_bounds = array<i64: 2, 16>, scalar_prefetch = 0 : i64, scratch_operands = 3 : i64, tpu.core_type = #tpu.core_type<sc_vector_subcore>, window_params = [{transform_indices = #map}, {transform_indices = #map1}]} {
    %mul3A = arith.constant 2 : i32
    %mul3A_0 = arith.muli %arg1, %mul3A : i32
    %add3A = arith.addi %mul3A_0, %arg0 : i32
    %lt3A = arith.constant 26 : i32
    %lt3A_1 = arith.cmpi slt, %add3A, %lt3A : i32
    %convert_element_type3A = arith.extui %lt3A_1 : i1 to i32
    %cond3A = arith.constant 0 : i32
    %cond3A_2 = arith.cmpi ne, %convert_element_type3A, %cond3A : i32
    scf.if %cond3A_2 {
      %dma_start3A = arith.constant 0 : i32
      %dma_start3A_3 = tpu.memref_slice %arg2[%add3A, %dma_start3A] : memref<26x16384xi32, #tpu.memory_space<hbm>> -> memref<1x16384xi32, #tpu.memory_space<hbm>>
      %dma_start3A_4 = tpu.memref_squeeze %dma_start3A_3 : memref<1x16384xi32, #tpu.memory_space<hbm>> -> memref<16384xi32, #tpu.memory_space<hbm>>
      %dma_start3A_5 = arith.constant 0 : i32
      %dma_start3A_6 = tpu.memref_slice %arg2[%add3A, %dma_start3A_5] : memref<26x16384xi32, #tpu.memory_space<hbm>> -> memref<1x16384xi32, #tpu.memory_space<hbm>>
      %dma_start3A_7 = tpu.memref_squeeze %dma_start3A_6 : memref<1x16384xi32, #tpu.memory_space<hbm>> -> memref<16384xi32, #tpu.memory_space<hbm>>
      tpu.enqueue_dma source(%dma_start3A_7 : memref<16384xi32, #tpu.memory_space<hbm>>) target(%arg4 : memref<16384xi32, #tpu.memory_space<vmem>>) target_semaphore(%arg6 : memref<!tpu.dma_semaphore, #tpu.memory_space<semaphore_mem>>)
      %broadcast_in_dim3A = arith.constant 0 : i32
      %broadcast_in_dim3A_8 = vector.broadcast %broadcast_in_dim3A : i32 to vector<16xi32>
      %scan3A = arith.constant 0 : i32
      %scan3A_9 = arith.constant 0 : i32
      %scan3A_10 = arith.constant 800 : i32
      %scan3A_11 = arith.addi %scan3A_9, %scan3A_10 : i32
      %scan3A_12 = arith.constant 1 : i32
      %scan3A_13 = scf.for %scan3A_29 = %scan3A_9 to %scan3A_11 step %scan3A_12 iter_args(%scan3A_30 = %scan3A) -> (i32)  : i32 {
        %mul3A_31 = arith.constant 8 : i32
        %mul3A_32 = arith.muli %scan3A_29, %mul3A_31 : i32
        %add3A_33 = arith.constant 0 : i32
        %add3A_34 = arith.addi %mul3A_32, %add3A_33 : i32
        %mul3A_35 = arith.constant 16 : i32
        %mul3A_36 = arith.muli %add3A_34, %mul3A_35 : i32
        %swap3A = arith.index_cast %mul3A_36 : i32 to index
        %swap3A_37 = tpu.vector_load %arg5[%swap3A] {strides = array<i32>} : memref<102400xi32, #tpu.memory_space<vmem>>, vector<16xi32>,
        tpu.vector_store %arg5[%swap3A], %broadcast_in_dim3A_8 {strides = array<i32>} : memref<102400xi32, #tpu.memory_space<vmem>>, vector<16xi32>,
        %mul3A_38 = arith.constant 8 : i32
        %mul3A_39 = arith.muli %scan3A_29, %mul3A_38 : i32
        %add3A_40 = arith.constant 1 : i32
        %add3A_41 = arith.addi %mul3A_39, %add3A_40 : i32
        %mul3A_42 = arith.constant 16 : i32
        %mul3A_43 = arith.muli %add3A_41, %mul3A_42 : i32
        %swap3A_44 = arith.index_cast %mul3A_43 : i32 to index
        %swap3A_45 = tpu.vector_load %arg5[%swap3A_44] {strides = array<i32>} : memref<102400xi32, #tpu.memory_space<vmem>>, vector<16xi32>,
        tpu.vector_store %arg5[%swap3A_44], %broadcast_in_dim3A_8 {strides = array<i32>} : memref<102400xi32, #tpu.memory_space<vmem>>, vector<16xi32>,
        %mul3A_46 = arith.constant 8 : i32
        %mul3A_47 = arith.muli %scan3A_29, %mul3A_46 : i32
        %add3A_48 = arith.constant 2 : i32
        %add3A_49 = arith.addi %mul3A_47, %add3A_48 : i32
        %mul3A_50 = arith.constant 16 : i32
        %mul3A_51 = arith.muli %add3A_49, %mul3A_50 : i32
        %swap3A_52 = arith.index_cast %mul3A_51 : i32 to index
        %swap3A_53 = tpu.vector_load %arg5[%swap3A_52] {strides = array<i32>} : memref<102400xi32, #tpu.memory_space<vmem>>, vector<16xi32>,
        tpu.vector_store %arg5[%swap3A_52], %broadcast_in_dim3A_8 {strides = array<i32>} : memref<102400xi32, #tpu.memory_space<vmem>>, vector<16xi32>,
        %mul3A_54 = arith.constant 8 : i32
        %mul3A_55 = arith.muli %scan3A_29, %mul3A_54 : i32
        %add3A_56 = arith.constant 3 : i32
        %add3A_57 = arith.addi %mul3A_55, %add3A_56 : i32
        %mul3A_58 = arith.constant 16 : i32
        %mul3A_59 = arith.muli %add3A_57, %mul3A_58 : i32
        %swap3A_60 = arith.index_cast %mul3A_59 : i32 to index
        %swap3A_61 = tpu.vector_load %arg5[%swap3A_60] {strides = array<i32>} : memref<102400xi32, #tpu.memory_space<vmem>>, vector<16xi32>,
        tpu.vector_store %arg5[%swap3A_60], %broadcast_in_dim3A_8 {strides = array<i32>} : memref<102400xi32, #tpu.memory_space<vmem>>, vector<16xi32>,
        %mul3A_62 = arith.constant 8 : i32
        %mul3A_63 = arith.muli %scan3A_29, %mul3A_62 : i32
        %add3A_64 = arith.constant 4 : i32
        %add3A_65 = arith.addi %mul3A_63, %add3A_64 : i32
        %mul3A_66 = arith.constant 16 : i32
        %mul3A_67 = arith.muli %add3A_65, %mul3A_66 : i32
        %swap3A_68 = arith.index_cast %mul3A_67 : i32 to index
        %swap3A_69 = tpu.vector_load %arg5[%swap3A_68] {strides = array<i32>} : memref<102400xi32, #tpu.memory_space<vmem>>, vector<16xi32>,
        tpu.vector_store %arg5[%swap3A_68], %broadcast_in_dim3A_8 {strides = array<i32>} : memref<102400xi32, #tpu.memory_space<vmem>>, vector<16xi32>,
        %mul3A_70 = arith.constant 8 : i32
        %mul3A_71 = arith.muli %scan3A_29, %mul3A_70 : i32
        %add3A_72 = arith.constant 5 : i32
        %add3A_73 = arith.addi %mul3A_71, %add3A_72 : i32
        %mul3A_74 = arith.constant 16 : i32
        %mul3A_75 = arith.muli %add3A_73, %mul3A_74 : i32
        %swap3A_76 = arith.index_cast %mul3A_75 : i32 to index
        %swap3A_77 = tpu.vector_load %arg5[%swap3A_76] {strides = array<i32>} : memref<102400xi32, #tpu.memory_space<vmem>>, vector<16xi32>,
        tpu.vector_store %arg5[%swap3A_76], %broadcast_in_dim3A_8 {strides = array<i32>} : memref<102400xi32, #tpu.memory_space<vmem>>, vector<16xi32>,
        %mul3A_78 = arith.constant 8 : i32
        %mul3A_79 = arith.muli %scan3A_29, %mul3A_78 : i32
        %add3A_80 = arith.constant 6 : i32
        %add3A_81 = arith.addi %mul3A_79, %add3A_80 : i32
        %mul3A_82 = arith.constant 16 : i32
        %mul3A_83 = arith.muli %add3A_81, %mul3A_82 : i32
        %swap3A_84 = arith.index_cast %mul3A_83 : i32 to index
        %swap3A_85 = tpu.vector_load %arg5[%swap3A_84] {strides = array<i32>} : memref<102400xi32, #tpu.memory_space<vmem>>, vector<16xi32>,
        tpu.vector_store %arg5[%swap3A_84], %broadcast_in_dim3A_8 {strides = array<i32>} : memref<102400xi32, #tpu.memory_space<vmem>>, vector<16xi32>,
        %mul3A_86 = arith.constant 8 : i32
        %mul3A_87 = arith.muli %scan3A_29, %mul3A_86 : i32
        %add3A_88 = arith.constant 7 : i32
        %add3A_89 = arith.addi %mul3A_87, %add3A_88 : i32
        %mul3A_90 = arith.constant 16 : i32
        %mul3A_91 = arith.muli %add3A_89, %mul3A_90 : i32
        %swap3A_92 = arith.index_cast %mul3A_91 : i32 to index
        %swap3A_93 = tpu.vector_load %arg5[%swap3A_92] {strides = array<i32>} : memref<102400xi32, #tpu.memory_space<vmem>>, vector<16xi32>,
        tpu.vector_store %arg5[%swap3A_92], %broadcast_in_dim3A_8 {strides = array<i32>} : memref<102400xi32, #tpu.memory_space<vmem>>, vector<16xi32>,
        %scan3A_94 = arith.constant 0 : i32
        scf.yield %scan3A_94 : i32
      }
      %scan3A_14 = arith.constant 800 : i32
      %dma_wait3A = arith.constant 0 : i32
      %dma_wait3A_15 = tpu.memref_slice %arg2[%add3A, %dma_wait3A] : memref<26x16384xi32, #tpu.memory_space<hbm>> -> memref<1x16384xi32, #tpu.memory_space<hbm>>
      %dma_wait3A_16 = tpu.memref_squeeze %dma_wait3A_15 : memref<1x16384xi32, #tpu.memory_space<hbm>> -> memref<16384xi32, #tpu.memory_space<hbm>>
      %dma_wait3A_17 = arith.constant 0 : i32
      %dma_wait3A_18 = tpu.memref_slice %arg2[%add3A, %dma_wait3A_17] : memref<26x16384xi32, #tpu.memory_space<hbm>> -> memref<1x16384xi32, #tpu.memory_space<hbm>>
      %dma_wait3A_19 = tpu.memref_squeeze %dma_wait3A_18 : memref<1x16384xi32, #tpu.memory_space<hbm>> -> memref<16384xi32, #tpu.memory_space<hbm>>
      tpu.wait_dma2 semaphore(%arg6 : memref<!tpu.dma_semaphore, #tpu.memory_space<semaphore_mem>>) src(%dma_wait3A_19 : memref<16384xi32, #tpu.memory_space<hbm>>) dst(%arg4 : memref<16384xi32, #tpu.memory_space<vmem>>)
      %scan3A_20 = arith.constant 0 : i32
      %scan3A_21 = arith.constant 0 : i32
      %scan3A_22 = arith.constant 128 : i32
      %scan3A_23 = arith.addi %scan3A_21, %scan3A_22 : i32
      %scan3A_24 = arith.constant 1 : i32
      %scan3A_25 = scf.for %scan3A_29 = %scan3A_21 to %scan3A_23 step %scan3A_24 iter_args(%scan3A_30 = %scan3A_20) -> (i32)  : i32 {
        %mul3A_31 = arith.constant 8 : i32
        %mul3A_32 = arith.muli %scan3A_29, %mul3A_31 : i32
        %add3A_33 = arith.constant 0 : i32
        %add3A_34 = arith.addi %mul3A_32, %add3A_33 : i32
        %mul3A_35 = arith.constant 16 : i32
        %mul3A_36 = arith.muli %add3A_34, %mul3A_35 : i32
        %get3A = arith.index_cast %mul3A_36 : i32 to index
        %get3A_37 = tpu.vector_load %arg4[%get3A] {strides = array<i32>} : memref<16384xi32, #tpu.memory_space<vmem>>, vector<16xi32>,
        %mul3A_38 = arith.constant 8 : i32
        %mul3A_39 = arith.muli %scan3A_29, %mul3A_38 : i32
        %add3A_40 = arith.constant 1 : i32
        %add3A_41 = arith.addi %mul3A_39, %add3A_40 : i32
        %mul3A_42 = arith.constant 16 : i32
        %mul3A_43 = arith.muli %add3A_41, %mul3A_42 : i32
        %get3A_44 = arith.index_cast %mul3A_43 : i32 to index
        %get3A_45 = tpu.vector_load %arg4[%get3A_44] {strides = array<i32>} : memref<16384xi32, #tpu.memory_space<vmem>>, vector<16xi32>,
        %mul3A_46 = arith.constant 8 : i32
        %mul3A_47 = arith.muli %scan3A_29, %mul3A_46 : i32
        %add3A_48 = arith.constant 2 : i32
        %add3A_49 = arith.addi %mul3A_47, %add3A_48 : i32
        %mul3A_50 = arith.constant 16 : i32
        %mul3A_51 = arith.muli %add3A_49, %mul3A_50 : i32
        %get3A_52 = arith.index_cast %mul3A_51 : i32 to index
        %get3A_53 = tpu.vector_load %arg4[%get3A_52] {strides = array<i32>} : memref<16384xi32, #tpu.memory_space<vmem>>, vector<16xi32>,
        %mul3A_54 = arith.constant 8 : i32
        %mul3A_55 = arith.muli %scan3A_29, %mul3A_54 : i32
        %add3A_56 = arith.constant 3 : i32
        %add3A_57 = arith.addi %mul3A_55, %add3A_56 : i32
        %mul3A_58 = arith.constant 16 : i32
        %mul3A_59 = arith.muli %add3A_57, %mul3A_58 : i32
        %get3A_60 = arith.index_cast %mul3A_59 : i32 to index
        %get3A_61 = tpu.vector_load %arg4[%get3A_60] {strides = array<i32>} : memref<16384xi32, #tpu.memory_space<vmem>>, vector<16xi32>,
        %mul3A_62 = arith.constant 8 : i32
        %mul3A_63 = arith.muli %scan3A_29, %mul3A_62 : i32
        %add3A_64 = arith.constant 4 : i32
        %add3A_65 = arith.addi %mul3A_63, %add3A_64 : i32
        %mul3A_66 = arith.constant 16 : i32
        %mul3A_67 = arith.muli %add3A_65, %mul3A_66 : i32
        %get3A_68 = arith.index_cast %mul3A_67 : i32 to index
        %get3A_69 = tpu.vector_load %arg4[%get3A_68] {strides = array<i32>} : memref<16384xi32, #tpu.memory_space<vmem>>, vector<16xi32>,
        %mul3A_70 = arith.constant 8 : i32
        %mul3A_71 = arith.muli %scan3A_29, %mul3A_70 : i32
        %add3A_72 = arith.constant 5 : i32
        %add3A_73 = arith.addi %mul3A_71, %add3A_72 : i32
        %mul3A_74 = arith.constant 16 : i32
        %mul3A_75 = arith.muli %add3A_73, %mul3A_74 : i32
        %get3A_76 = arith.index_cast %mul3A_75 : i32 to index
        %get3A_77 = tpu.vector_load %arg4[%get3A_76] {strides = array<i32>} : memref<16384xi32, #tpu.memory_space<vmem>>, vector<16xi32>,
        %mul3A_78 = arith.constant 8 : i32
        %mul3A_79 = arith.muli %scan3A_29, %mul3A_78 : i32
        %add3A_80 = arith.constant 6 : i32
        %add3A_81 = arith.addi %mul3A_79, %add3A_80 : i32
        %mul3A_82 = arith.constant 16 : i32
        %mul3A_83 = arith.muli %add3A_81, %mul3A_82 : i32
        %get3A_84 = arith.index_cast %mul3A_83 : i32 to index
        %get3A_85 = tpu.vector_load %arg4[%get3A_84] {strides = array<i32>} : memref<16384xi32, #tpu.memory_space<vmem>>, vector<16xi32>,
        %mul3A_86 = arith.constant 8 : i32
        %mul3A_87 = arith.muli %scan3A_29, %mul3A_86 : i32
        %add3A_88 = arith.constant 7 : i32
        %add3A_89 = arith.addi %mul3A_87, %add3A_88 : i32
        %mul3A_90 = arith.constant 16 : i32
        %mul3A_91 = arith.muli %add3A_89, %mul3A_90 : i32
        %get3A_92 = arith.index_cast %mul3A_91 : i32 to index
        %get3A_93 = tpu.vector_load %arg4[%get3A_92] {strides = array<i32>} : memref<16384xi32, #tpu.memory_space<vmem>>, vector<16xi32>,
        %broadcast_in_dim3A_94 = arith.constant true
        %broadcast_in_dim3A_95 = vector.broadcast %broadcast_in_dim3A_94 : i1 to vector<16xi1>
        %unique3A, %unique3A_96 = tpu.scan_count mask(%broadcast_in_dim3A_95 : vector<16xi1>) value(%get3A_37 : vector<16xi32>) : vector<16xi1>, vector<16xi32>
        %broadcast_in_dim3A_97 = arith.constant true
        %broadcast_in_dim3A_98 = vector.broadcast %broadcast_in_dim3A_97 : i1 to vector<16xi1>
        %unique3A_99, %unique3A_100 = tpu.scan_count mask(%broadcast_in_dim3A_98 : vector<16xi1>) value(%get3A_45 : vector<16xi32>) : vector<16xi1>, vector<16xi32>
        %broadcast_in_dim3A_101 = arith.constant true
        %broadcast_in_dim3A_102 = vector.broadcast %broadcast_in_dim3A_101 : i1 to vector<16xi1>
        %unique3A_103, %unique3A_104 = tpu.scan_count mask(%broadcast_in_dim3A_102 : vector<16xi1>) value(%get3A_53 : vector<16xi32>) : vector<16xi1>, vector<16xi32>
        %broadcast_in_dim3A_105 = arith.constant true
        %broadcast_in_dim3A_106 = vector.broadcast %broadcast_in_dim3A_105 : i1 to vector<16xi1>
        %unique3A_107, %unique3A_108 = tpu.scan_count mask(%broadcast_in_dim3A_106 : vector<16xi1>) value(%get3A_61 : vector<16xi32>) : vector<16xi1>, vector<16xi32>
        %broadcast_in_dim3A_109 = arith.constant true
        %broadcast_in_dim3A_110 = vector.broadcast %broadcast_in_dim3A_109 : i1 to vector<16xi1>
        %unique3A_111, %unique3A_112 = tpu.scan_count mask(%broadcast_in_dim3A_110 : vector<16xi1>) value(%get3A_69 : vector<16xi32>) : vector<16xi1>, vector<16xi32>
        %broadcast_in_dim3A_113 = arith.constant true
        %broadcast_in_dim3A_114 = vector.broadcast %broadcast_in_dim3A_113 : i1 to vector<16xi1>
        %unique3A_115, %unique3A_116 = tpu.scan_count mask(%broadcast_in_dim3A_114 : vector<16xi1>) value(%get3A_77 : vector<16xi32>) : vector<16xi1>, vector<16xi32>
        %broadcast_in_dim3A_117 = arith.constant true
        %broadcast_in_dim3A_118 = vector.broadcast %broadcast_in_dim3A_117 : i1 to vector<16xi1>
        %unique3A_119, %unique3A_120 = tpu.scan_count mask(%broadcast_in_dim3A_118 : vector<16xi1>) value(%get3A_85 : vector<16xi32>) : vector<16xi1>, vector<16xi32>
        %broadcast_in_dim3A_121 = arith.constant true
        %broadcast_in_dim3A_122 = vector.broadcast %broadcast_in_dim3A_121 : i1 to vector<16xi1>
        %unique3A_123, %unique3A_124 = tpu.scan_count mask(%broadcast_in_dim3A_122 : vector<16xi1>) value(%get3A_93 : vector<16xi32>) : vector<16xi1>, vector<16xi32>
        tpu.vector_store_idx %arg5[%get3A_37], %unique3A_96 masked %unique3A {add = true} : memref<102400xi32, #tpu.memory_space<vmem>>[vector<16xi32>], vector<16xi32>, vector<16xi1>
        tpu.vector_store_idx %arg5[%get3A_45], %unique3A_100 masked %unique3A_99 {add = true} : memref<102400xi32, #tpu.memory_space<vmem>>[vector<16xi32>], vector<16xi32>, vector<16xi1>
        tpu.vector_store_idx %arg5[%get3A_53], %unique3A_104 masked %unique3A_103 {add = true} : memref<102400xi32, #tpu.memory_space<vmem>>[vector<16xi32>], vector<16xi32>, vector<16xi1>
        tpu.vector_store_idx %arg5[%get3A_61], %unique3A_108 masked %unique3A_107 {add = true} : memref<102400xi32, #tpu.memory_space<vmem>>[vector<16xi32>], vector<16xi32>, vector<16xi1>
        tpu.vector_store_idx %arg5[%get3A_69], %unique3A_112 masked %unique3A_111 {add = true} : memref<102400xi32, #tpu.memory_space<vmem>>[vector<16xi32>], vector<16xi32>, vector<16xi1>
        tpu.vector_store_idx %arg5[%get3A_77], %unique3A_116 masked %unique3A_115 {add = true} : memref<102400xi32, #tpu.memory_space<vmem>>[vector<16xi32>], vector<16xi32>, vector<16xi1>
        tpu.vector_store_idx %arg5[%get3A_85], %unique3A_120 masked %unique3A_119 {add = true} : memref<102400xi32, #tpu.memory_space<vmem>>[vector<16xi32>], vector<16xi32>, vector<16xi1>
        tpu.vector_store_idx %arg5[%get3A_93], %unique3A_124 masked %unique3A_123 {add = true} : memref<102400xi32, #tpu.memory_space<vmem>>[vector<16xi32>], vector<16xi32>, vector<16xi1>
        %scan3A_125 = arith.constant 0 : i32
        scf.yield %scan3A_125 : i32
      }
      %scan3A_26 = arith.constant 128 : i32
      %mul3A_27 = arith.constant 102400 : i32
      %mul3A_28 = arith.muli %add3A, %mul3A_27 : i32
      "tpu.region"() ({
        %run_scoped3A = tpu.sem_alloc : memref<!tpu.dma_semaphore, #tpu.memory_space<semaphore_mem>>
        %dma_start3A_29 = tpu.memref_slice %arg3[%mul3A_28] : memref<2662400xi32, #tpu.memory_space<hbm>> -> memref<102400xi32, #tpu.memory_space<hbm>>
        %dma_start3A_30 = tpu.memref_slice %arg3[%mul3A_28] : memref<2662400xi32, #tpu.memory_space<hbm>> -> memref<102400xi32, #tpu.memory_space<hbm>>
        tpu.enqueue_dma source(%arg5 : memref<102400xi32, #tpu.memory_space<vmem>>) target(%dma_start3A_30 : memref<102400xi32, #tpu.memory_space<hbm>>) target_semaphore(%run_scoped3A : memref<!tpu.dma_semaphore, #tpu.memory_space<semaphore_mem>>)
        %dma_wait3A_31 = tpu.memref_slice %arg3[%mul3A_28] : memref<2662400xi32, #tpu.memory_space<hbm>> -> memref<102400xi32, #tpu.memory_space<hbm>>
        %dma_wait3A_32 = tpu.memref_slice %arg3[%mul3A_28] : memref<2662400xi32, #tpu.memory_space<hbm>> -> memref<102400xi32, #tpu.memory_space<hbm>>
        tpu.wait_dma2 semaphore(%run_scoped3A : memref<!tpu.dma_semaphore, #tpu.memory_space<semaphore_mem>>) src(%arg5 : memref<102400xi32, #tpu.memory_space<vmem>>) dst(%dma_wait3A_32 : memref<102400xi32, #tpu.memory_space<hbm>>)
        tpu.yield
      }) : () -> ()
    } else {
    }
    return
  }
}

module attributes {stable_mosaic.version = 14 : i64} {
  func.func @_tc_body(%arg0: i32, %arg1: memref<102400xi32, #tpu.memory_space<vmem>>, %arg2: memref<1x16x100000xf32, #tpu.memory_space<vmem>>, %arg3: memref<1x1x16xf32, #tpu.memory_space<vmem>>) attributes {dimension_semantics = [#tpu.dimension_semantics<arbitrary>], iteration_bounds = array<i64: 26>, scalar_prefetch = 0 : i64, scratch_operands = 0 : i64, tpu.core_type = #tpu.core_type<tc>, window_params = [{transform_indices = @transform_0, window_bounds = array<i64: 102400>}, {transform_indices = @transform_1, window_bounds = array<i64: 1, 16, 100000>}, {transform_indices = @transform_2, window_bounds = array<i64: 1, 1, 16>}]} {
    %get3A = arith.constant 0 : index
    %get3A_0 = arith.constant 0 : index
    %get3A_1 = arith.constant 0 : index
    %get3A_2 = vector.load %arg2[%get3A, %get3A_0, %get3A_1] : memref<1x16x100000xf32, #tpu.memory_space<vmem>>, vector<1x16x100000xf32>
    %get3A_3 = vector.shape_cast %get3A_2 : vector<1x16x100000xf32> to vector<16x100000xf32>
    %broadcast_in_dim3A = arith.constant 0.000000e+00 : f32
    %broadcast_in_dim3A_4 = vector.broadcast %broadcast_in_dim3A : f32 to vector<16xf32>
    %get3A_5 = arith.constant 0 : index
    %get3A_6 = vector.load %arg1[%get3A_5] : memref<102400xi32, #tpu.memory_space<vmem>>, vector<12800xi32>
    %slice3A = vector.extract_strided_slice %get3A_3 {offsets = [0, 0], sizes = [16, 12800], strides = [1, 1]} : vector<16x100000xf32> to vector<16x12800xf32>
    %convert_element_type3A = arith.sitofp %get3A_6 : vector<12800xi32> to vector<12800xf32>
    %broadcast_in_dim3A_7 = vector.shape_cast %convert_element_type3A : vector<12800xf32> to vector<1x12800xf32>
    %mul3A = vector.broadcast %broadcast_in_dim3A_7 : vector<1x12800xf32> to vector<16x12800xf32>
    %mul3A_8 = arith.mulf %slice3A, %mul3A : vector<16x12800xf32>
    %reduce_sum3A = arith.constant dense<0.000000e+00> : vector<16xf32>
    %reduce_sum3A_9 = vector.multi_reduction <add>, %mul3A_8, %reduce_sum3A [1] : vector<16x12800xf32> to vector<16xf32>
    %add3A = arith.addf %broadcast_in_dim3A_4, %reduce_sum3A_9 : vector<16xf32>
    %get3A_10 = arith.constant 12800 : index
    %get3A_11 = vector.load %arg1[%get3A_10] : memref<102400xi32, #tpu.memory_space<vmem>>, vector<12800xi32>
    %slice3A_12 = vector.extract_strided_slice %get3A_3 {offsets = [0, 12800], sizes = [16, 12800], strides = [1, 1]} : vector<16x100000xf32> to vector<16x12800xf32>
    %convert_element_type3A_13 = arith.sitofp %get3A_11 : vector<12800xi32> to vector<12800xf32>
    %broadcast_in_dim3A_14 = vector.shape_cast %convert_element_type3A_13 : vector<12800xf32> to vector<1x12800xf32>
    %mul3A_15 = vector.broadcast %broadcast_in_dim3A_14 : vector<1x12800xf32> to vector<16x12800xf32>
    %mul3A_16 = arith.mulf %slice3A_12, %mul3A_15 : vector<16x12800xf32>
    %reduce_sum3A_17 = arith.constant dense<0.000000e+00> : vector<16xf32>
    %reduce_sum3A_18 = vector.multi_reduction <add>, %mul3A_16, %reduce_sum3A_17 [1] : vector<16x12800xf32> to vector<16xf32>
    %add3A_19 = arith.addf %add3A, %reduce_sum3A_18 : vector<16xf32>
    %get3A_20 = arith.constant 25600 : index
    %get3A_21 = vector.load %arg1[%get3A_20] : memref<102400xi32, #tpu.memory_space<vmem>>, vector<12800xi32>
    %slice3A_22 = vector.extract_strided_slice %get3A_3 {offsets = [0, 25600], sizes = [16, 12800], strides = [1, 1]} : vector<16x100000xf32> to vector<16x12800xf32>
    %convert_element_type3A_23 = arith.sitofp %get3A_21 : vector<12800xi32> to vector<12800xf32>
    %broadcast_in_dim3A_24 = vector.shape_cast %convert_element_type3A_23 : vector<12800xf32> to vector<1x12800xf32>
    %mul3A_25 = vector.broadcast %broadcast_in_dim3A_24 : vector<1x12800xf32> to vector<16x12800xf32>
    %mul3A_26 = arith.mulf %slice3A_22, %mul3A_25 : vector<16x12800xf32>
    %reduce_sum3A_27 = arith.constant dense<0.000000e+00> : vector<16xf32>
    %reduce_sum3A_28 = vector.multi_reduction <add>, %mul3A_26, %reduce_sum3A_27 [1] : vector<16x12800xf32> to vector<16xf32>
    %add3A_29 = arith.addf %add3A_19, %reduce_sum3A_28 : vector<16xf32>
    %get3A_30 = arith.constant 38400 : index
    %get3A_31 = vector.load %arg1[%get3A_30] : memref<102400xi32, #tpu.memory_space<vmem>>, vector<12800xi32>
    %slice3A_32 = vector.extract_strided_slice %get3A_3 {offsets = [0, 38400], sizes = [16, 12800], strides = [1, 1]} : vector<16x100000xf32> to vector<16x12800xf32>
    %convert_element_type3A_33 = arith.sitofp %get3A_31 : vector<12800xi32> to vector<12800xf32>
    %broadcast_in_dim3A_34 = vector.shape_cast %convert_element_type3A_33 : vector<12800xf32> to vector<1x12800xf32>
    %mul3A_35 = vector.broadcast %broadcast_in_dim3A_34 : vector<1x12800xf32> to vector<16x12800xf32>
    %mul3A_36 = arith.mulf %slice3A_32, %mul3A_35 : vector<16x12800xf32>
    %reduce_sum3A_37 = arith.constant dense<0.000000e+00> : vector<16xf32>
    %reduce_sum3A_38 = vector.multi_reduction <add>, %mul3A_36, %reduce_sum3A_37 [1] : vector<16x12800xf32> to vector<16xf32>
    %add3A_39 = arith.addf %add3A_29, %reduce_sum3A_38 : vector<16xf32>
    %get3A_40 = arith.constant 51200 : index
    %get3A_41 = vector.load %arg1[%get3A_40] : memref<102400xi32, #tpu.memory_space<vmem>>, vector<12800xi32>
    %slice3A_42 = vector.extract_strided_slice %get3A_3 {offsets = [0, 51200], sizes = [16, 12800], strides = [1, 1]} : vector<16x100000xf32> to vector<16x12800xf32>
    %convert_element_type3A_43 = arith.sitofp %get3A_41 : vector<12800xi32> to vector<12800xf32>
    %broadcast_in_dim3A_44 = vector.shape_cast %convert_element_type3A_43 : vector<12800xf32> to vector<1x12800xf32>
    %mul3A_45 = vector.broadcast %broadcast_in_dim3A_44 : vector<1x12800xf32> to vector<16x12800xf32>
    %mul3A_46 = arith.mulf %slice3A_42, %mul3A_45 : vector<16x12800xf32>
    %reduce_sum3A_47 = arith.constant dense<0.000000e+00> : vector<16xf32>
    %reduce_sum3A_48 = vector.multi_reduction <add>, %mul3A_46, %reduce_sum3A_47 [1] : vector<16x12800xf32> to vector<16xf32>
    %add3A_49 = arith.addf %add3A_39, %reduce_sum3A_48 : vector<16xf32>
    %get3A_50 = arith.constant 64000 : index
    %get3A_51 = vector.load %arg1[%get3A_50] : memref<102400xi32, #tpu.memory_space<vmem>>, vector<12800xi32>
    %slice3A_52 = vector.extract_strided_slice %get3A_3 {offsets = [0, 64000], sizes = [16, 12800], strides = [1, 1]} : vector<16x100000xf32> to vector<16x12800xf32>
    %convert_element_type3A_53 = arith.sitofp %get3A_51 : vector<12800xi32> to vector<12800xf32>
    %broadcast_in_dim3A_54 = vector.shape_cast %convert_element_type3A_53 : vector<12800xf32> to vector<1x12800xf32>
    %mul3A_55 = vector.broadcast %broadcast_in_dim3A_54 : vector<1x12800xf32> to vector<16x12800xf32>
    %mul3A_56 = arith.mulf %slice3A_52, %mul3A_55 : vector<16x12800xf32>
    %reduce_sum3A_57 = arith.constant dense<0.000000e+00> : vector<16xf32>
    %reduce_sum3A_58 = vector.multi_reduction <add>, %mul3A_56, %reduce_sum3A_57 [1] : vector<16x12800xf32> to vector<16xf32>
    %add3A_59 = arith.addf %add3A_49, %reduce_sum3A_58 : vector<16xf32>
    %get3A_60 = arith.constant 76800 : index
    %get3A_61 = vector.load %arg1[%get3A_60] : memref<102400xi32, #tpu.memory_space<vmem>>, vector<12800xi32>
    %slice3A_62 = vector.extract_strided_slice %get3A_3 {offsets = [0, 76800], sizes = [16, 12800], strides = [1, 1]} : vector<16x100000xf32> to vector<16x12800xf32>
    %convert_element_type3A_63 = arith.sitofp %get3A_61 : vector<12800xi32> to vector<12800xf32>
    %broadcast_in_dim3A_64 = vector.shape_cast %convert_element_type3A_63 : vector<12800xf32> to vector<1x12800xf32>
    %mul3A_65 = vector.broadcast %broadcast_in_dim3A_64 : vector<1x12800xf32> to vector<16x12800xf32>
    %mul3A_66 = arith.mulf %slice3A_62, %mul3A_65 : vector<16x12800xf32>
    %reduce_sum3A_67 = arith.constant dense<0.000000e+00> : vector<16xf32>
    %reduce_sum3A_68 = vector.multi_reduction <add>, %mul3A_66, %reduce_sum3A_67 [1] : vector<16x12800xf32> to vector<16xf32>
    %add3A_69 = arith.addf %add3A_59, %reduce_sum3A_68 : vector<16xf32>
    %get3A_70 = arith.constant 89600 : index
    %get3A_71 = vector.load %arg1[%get3A_70] : memref<102400xi32, #tpu.memory_space<vmem>>, vector<10400xi32>
    %slice3A_72 = vector.extract_strided_slice %get3A_3 {offsets = [0, 89600], sizes = [16, 10400], strides = [1, 1]} : vector<16x100000xf32> to vector<16x10400xf32>
    %convert_element_type3A_73 = arith.sitofp %get3A_71 : vector<10400xi32> to vector<10400xf32>
    %broadcast_in_dim3A_74 = vector.shape_cast %convert_element_type3A_73 : vector<10400xf32> to vector<1x10400xf32>
    %mul3A_75 = vector.broadcast %broadcast_in_dim3A_74 : vector<1x10400xf32> to vector<16x10400xf32>
    %mul3A_76 = arith.mulf %slice3A_72, %mul3A_75 : vector<16x10400xf32>
    %reduce_sum3A_77 = arith.constant dense<0.000000e+00> : vector<16xf32>
    %reduce_sum3A_78 = vector.multi_reduction <add>, %mul3A_76, %reduce_sum3A_77 [1] : vector<16x10400xf32> to vector<16xf32>
    %add3A_79 = arith.addf %add3A_69, %reduce_sum3A_78 : vector<16xf32>
    %swap3A = arith.constant 0 : index
    %swap3A_80 = arith.constant 0 : index
    %swap3A_81 = arith.constant 0 : index
    %swap3A_82 = vector.load %arg3[%swap3A, %swap3A_80, %swap3A_81] : memref<1x1x16xf32, #tpu.memory_space<vmem>>, vector<1x1x16xf32>
    %swap3A_83 = vector.shape_cast %swap3A_82 : vector<1x1x16xf32> to vector<16xf32>
    %swap3A_84 = vector.shape_cast %add3A_79 : vector<16xf32> to vector<1x1x16xf32>
    tpu.vector_store %arg3[%swap3A, %swap3A_80, %swap3A_81], %swap3A_84 {strides = array<i32>} : memref<1x1x16xf32, #tpu.memory_space<vmem>>, vector<1x1x16xf32>,
    return
  }
  func.func @transform_0(%arg0: i32) -> i32 {
    %c0_i32 = arith.constant 0 : i32
    return %arg0 : i32
  }
  func.func @transform_1(%arg0: i32) -> (i32, i32, i32) {
    %c0_i32 = arith.constant 0 : i32
    %c0_i32_0 = arith.constant 0 : i32
    %c0_i32_1 = arith.constant 0 : i32
    return %arg0, %c0_i32, %c0_i32_0 : i32, i32, i32
  }
  func.func @transform_2(%arg0: i32) -> (i32, i32, i32) {
    %c0_i32 = arith.constant 0 : i32
    %c0_i32_0 = arith.constant 0 : i32
    %c0_i32_1 = arith.constant 0 : i32
    return %arg0, %c0_i32, %c0_i32_0 : i32, i32, i32
  }
}

</mosaic_0001>

<sc_bundles>
// kernel: _run.4.cloned.1.call-start
scs
__scs_entry_jumppad:
0x0: {  	(pc) =	sbr.rel $0x88, $3  }
0x1: {  	(tag) =	ssettag $0x0;
	lr =	simm.s32 $0x1  }
0x2: {  	[smem:$0x3F9F] =	sst lr;
	_ =	strace $0xD0000000  }
0x3: {  	_ = 	snop  }
0x4: {  	_ = 	snop  }
0x5: {  	_ = 	snop  }
0x6: {  	_ = 	snop  }
0x7: {  	_ = 	snop  }
__scs_overlays_trampoline_lowered:
0x8: {  	[smem:$0x3FAE] =	sst s0  }
0x9: {  	[smem:$0x3FAF] =	sst s1  }
0xa: {  	[smem:$0x3FB0] =	sst s2  }
0xb: {  	[smem:$0x3FB1] =	sst s3  }
0xc: {  	[smem:$0x3FB2] =	sst s4  }
0xd: {  	[smem:$0x3FB3] =	sst s5  }
0xe: {  	[smem:$0x3FB4] =	sst s6  }
0xf: {  	[smem:$0x3FB5] =	sst s7  }
0x10: {  	[smem:$0x3FB6] =	sst s8  }
0x11: {  	[smem:$0x3FB7] =	sst s9;
	s0 =	simm.s32 @!p0 $0x0  }
0x12: {  	s1 =	sld [smem:$0x3F9D];
	s0 =	simm.s32 @p0 $0x1  }
0x13: {  	[smem:$0x3FB8] =	sst s0;
	s0 =	simm.s32 @!p1 $0x0  }
0x14: {  	s2 =	sld [smem:$0x3F9C];
	s0 =	simm.s32 @p1 $0x1  }
0x15: {  	[smem:$0x3FB9] =	sst s0;
	s0 =	simm.s32 @!p2 $0x0  }
0x16: {  	s3 =	sld [smem:$0x3FDB];
	s0 =	simm.s32 @p2 $0x1  }
0x17: {  	s4 =	simm.s32 $0x1BF5;
	[smem:$0x3FBB] =	sst s0  }
0x18: {  	s0 =	sld [smem:$0x3F9E];
	_ =	swait.ge [sflag:s4], $0x0  }
0x19: {  	s7 =	sld [smem:$0x3F9F]  }
0x1a: {  	s8 =	sadd.s32 $0xFFFFE003, lr  }
0x1b: {  	s9 =	sadd.s32 $0xFFFFFEF7, lr;
	s5 =	simm.s32 $0xFFFFFFFF;
	p2 =	slt.u32 s8, $0xFFFFF086  }
0x1c: {  	p1 =	slt.u32 s9, $0xF7A;
	s5 =	simm.s32 @!p2 $0x0  }
0x1d: {  	s5 =	simm.s32 @p1 $0x1;
	p0 =	seq.s32 s7, s2  }
0x1e: {  	s7 =	smul.u32 @!p0 $0xF7A, s2;
	p2 =	seq.s32 @!p0 s5, $0x0  }
0x1f: {  	s9 =	smul.u32 $0xF7A, s1;
	s8 =	simm.s32 @!p0 $0x1BF5;
	p2 =	por !p2, p0  }
0x20: {  	[sflag:s8] =	ssyncset.s32 @!p0 $0xFFFFF086;
	s6 =	sadd.s32 @!p0 s3, s7;
	s7 =	simm.s32 @!p0 $0x108  }
0x21: {  	s3 =	sadd.s32 s3, s9;
	s6 =	sadd.s32 @!p0 $0x88, s6;
	s7 =	simm.s32 @p2 $0x1082  }
0x22: {  	[simem:s7], [sflag:s8] =	dma.local @!p0 [hbm:s6], $0xF7A  }
0x23: {  	s9 =	sor.u32 $0xD0000000, s2;
	s6 =	simm.s32 $0x108;
	_ =	swait.ge @!p0 [sflag:s8], $0x0  }
0x24: {  	s3 =	sadd.s32 $0x88, s3;
	s6 =	simm.s32 @!p1 $0x1082;
	[sflag:s4] =	ssyncset.s32 $0xFFFFF086  }
0x25: {  	[simem:s6], [sflag:s4] =	dma.local [hbm:s3], $0xF7A  }
0x26: {  	[smem:$0x3F9F] =	sst s1;
	(tag) =	ssettag s2;
	_ =	strace s9  }
0x27: {  	s1 =	sld [smem:$0x3FAF]  }
0x28: {  	s2 =	sld [smem:$0x3FB0]  }
0x29: {  	s4 =	sld [smem:$0x3FB2]  }
0x2a: {  	p0 =	seq.s32 s5, $0x0;
	s5 =	sld [smem:$0x3FB3]  }
0x2b: {  	s6 =	sld [smem:$0x3FB4]  }
0x2c: {  	s7 =	sld [smem:$0x3FB5]  }
0x2d: {  	s3 =	simm.s32 $0x108;
	s8 =	sld [smem:$0x3FB6]  }
0x2e: {  	s3 =	simm.s32 @!p0 $0x1082;
	s9 =	sld [smem:$0x3FB7]  }
0x2f: {  	lr =	sadd.s32 s0, s3;
	s0 =	sld [smem:$0x3FAE]  }
0x30: {  	s3 =	sld [smem:$0x3FB1]  }
0x31: {  	[smem:$0x3FBA] =	sst s10  }
0x32: {  	s10 =	sld [smem:$0x3FB8];
	_ =	sdelay $0x3  }
0x33: {  	p0 =	seq.s32 s10, $0x1;
	s10 =	sld [smem:$0x3FBA];
	_ =	sdelay $0x3  }
0x34: {  	[smem:$0x3FBA] =	sst s10  }
0x35: {  	s10 =	sld [smem:$0x3FB9];
	_ =	sdelay $0x3  }
0x36: {  	p1 =	seq.s32 s10, $0x1;
	s10 =	sld [smem:$0x3FBA];
	_ =	sdelay $0x3  }
0x37: {  	[smem:$0x3FBA] =	sst s10  }
0x38: {  	s10 =	sld [smem:$0x3FBB]  }
0x39: {  	_ = 	snop;
	(pc) =	sbr.ind lr, $3  }
0x3a: {  	_ = 	snop  }
0x3b: {  	_ = 	snop  }
0x3c: {  	p2 =	seq.s32 s10, $0x1;
	s10 =	sld [smem:$0x3FBA]  }
0x3d: {  	_ =	shalt  }
0x3e: {  	_ =	shalt  }
0x3f: {  	_ =	shalt  }
0x40: {  	_ =	shalt  }
0x41: {  	_ =	shalt  }
0x42: {  	_ =	shalt  }
0x43: {  	_ =	shalt  }
0x44: {  	_ =	shalt  }
0x45: {  	_ =	shalt  }
0x46: {  	_ =	shalt  }
0x47: {  	_ =	shalt  }
0x48: {  	_ =	shalt  }
0x49: {  	_ =	shalt  }
0x4a: {  	_ =	shalt  }
0x4b: {  	_ =	shalt  }
0x4c: {  	_ =	shalt  }
0x4d: {  	_ =	shalt  }
0x4e: {  	_ =	shalt  }
0x4f: {  	_ =	shalt  }
0x50: {  	_ =	shalt  }
0x51: {  	_ =	shalt  }
0x52: {  	_ =	shalt  }
0x53: {  	_ =	shalt  }
0x54: {  	_ =	shalt  }
0x55: {  	_ =	shalt  }
0x56: {  	_ =	shalt  }
0x57: {  	_ =	shalt  }
0x58: {  	_ =	shalt  }
0x59: {  	_ =	shalt  }
0x5a: {  	_ =	shalt  }
0x5b: {  	_ =	shalt  }
0x5c: {  	_ =	shalt  }
0x5d: {  	_ =	shalt  }
0x5e: {  	_ =	shalt  }
0x5f: {  	_ =	shalt  }
0x60: {  	_ =	shalt  }
0x61: {  	_ =	shalt  }
0x62: {  	_ =	shalt  }
0x63: {  	_ =	shalt  }
0x64: {  	_ =	shalt  }
0x65: {  	_ =	shalt  }
0x66: {  	_ =	shalt  }
0x67: {  	_ =	shalt  }
0x68: {  	_ =	shalt  }
0x69: {  	_ =	shalt  }
0x6a: {  	_ =	shalt  }
0x6b: {  	_ =	shalt  }
0x6c: {  	_ =	shalt  }
0x6d: {  	_ =	shalt  }
0x6e: {  	_ =	shalt  }
0x6f: {  	_ =	shalt  }
0x70: {  	_ =	shalt  }
0x71: {  	_ =	shalt  }
0x72: {  	_ =	shalt  }
0x73: {  	_ =	shalt  }
0x74: {  	_ =	shalt  }
0x75: {  	_ =	shalt  }
0x76: {  	_ =	shalt  }
0x77: {  	_ =	shalt  }
0x78: {  	_ =	shalt  }
0x79: {  	_ =	shalt  }
0x7a: {  	_ =	shalt  }
0x7b: {  	_ =	shalt  }
0x7c: {  	_ =	shalt  }
0x7d: {  	_ =	shalt  }
0x7e: {  	_ =	shalt  }
0x7f: {  	_ =	shalt  }
0x80: {  	_ =	shalt  }
0x81: {  	_ =	shalt  }
0x82: {  	_ =	shalt  }
0x83: {  	_ =	shalt  }
0x84: {  	_ =	shalt  }
0x85: {  	_ =	shalt  }
0x86: {  	_ =	shalt  }
0x87: {  	_ =	shalt  }
.Lfunc_end0:
.L_simem_size_0:
called_computation_lowered:
.L_overlay_start_0:
0x88: {  	s2 =	sld [smem:$0x3FD9]  }
0x89: {  	s3 =	sld [smem:$0x3FFE];
	_ =	sdelay $0x1  }
0x8a: {  	s1 =	srdreg.scid  }
0x8b: {  	s0 =	sand.u32 $0x1, s1  }
0x8c: {  	s16 =	sshll.u32 s0, $0xA;
	s2 =	sadd.s32 s3, s2  }
0x8d: {  	s2 =	sadd.s32 s2, s16  }
0x8e: {  	[smem:$0x3FC6] =	sst s2  }
0x8f: {  	_ = 	snop  }
0x90: {  	(tm) =	ssettm $0x1  }
0x91: {  	s17 =	sld [smem:$0x3FFB];
	_ =	sdelay $0x3  }
0x92: {  	_ =	strace s17  }
0x93: {  	s2 =	sld [smem:$0x3FFC];
	_ =	sdelay $0x3  }
0x94: {  	_ =	strace s2  }
0x95: {  	s2 =	sld [smem:$0x3FFD];
	_ =	sdelay $0x3  }
0x96: {  	_ =	strace s2  }
0x97: {  	_ =	strace $0x8FFFFFFF  }
0x98: {  	s18 =	sld [smem:$0x3FDB];
	_ =	sdelay $0x1  }
0x99: {  	s19 =	simm.s32 $_scs_section_size  }
0x9a: {  	s4 =	simm.s32 $_size__tile_overlayer_lowered;
	s5 =	simm.s32 $_tile_overlayer_lowered  }
0x9b: {  	s22 =	simm.s32 $0x1BFF;
	s21 =	sshll.u32 s5, $0x1;
	s2 =	sadd.s32 s19, s18  }
0x9c: {  	s6 =	simm.s32 $0x0;
	s20 =	sshll.u32 s4, $0x1;
	s4 =	sadd.s32 s21, s2  }
0x9d: {  	[timem:s6], [sflag:s22] =	dma.local [hbm:s4], s20  }
0x9e: {  	_ =	swait.ge [sflag:s22], s20  }
0x9f: {  	s3 =	ssub.s32 $0x0, s20;
	[sflag:s22] =	ssyncset.done $0x0  }
0xa0: {  	[sflag:s22] =	ssyncadd.s32 s3;
	_ =	sdelay $0x1  }
0xa1: {  	s23 =	simm.s32 $0x1B8B  }
0xa2: {  	_ =	swait.ge [sflag:s23], $0x1  }
0xa3: {  	[sflag:s23] =	ssyncset.done $0x0  }
0xa4: {  	s25 =	simm.s32 $0x1B8E;
	s24 =	sld [smem:$0x3FFE];
	[sflag:s23] =	ssyncadd.s32 $0xFFFFFFFF  }
0xa5: {  	s26 =	simm.s32 $execute0_lowered;
	[smem:$0x3FD2] =	sst s25  }
0xa6: {  	s4 =	sshll.u32 s26, $0x1;
	_ =	strace $0x80000046;
	[dreg:$0x1] =	wrdreg $0xFFFFFFFF  }
0xa7: {  	s28 =	simm.s32 $_size_execute0_lowered;
	s2 =	sadd.s32 s2, s4;
	[dreg:$0x0] =	wrdreg $0x0  }
0xa8: {  	s4 =	sshll.u32 s28, $0x1;
	[dreg:$0x2] =	wrdreg s2  }
0xa9: {  	[dreg:$0x3] =	wrdreg s4  }
0xaa: {  	[dreg:$0x4] =	wrdreg $0xC0  }
0xab: {  	_ =	task [dreg:s6], $0x5FFFF  }
0xac: {  	[dreg:$0x1] =	wrdreg $0xFFFFFFFF  }
0xad: {  	[dreg:$0x0] =	wrdreg $0x60  }
0xae: {  	[dreg:$0x2] =	wrdreg s24  }
0xaf: {  	[dreg:$0x3] =	wrdreg $0x9  }
0xb0: {  	_ =	task.clear_ibuf [dreg:s6], $0x4FFFF;
	_ =	strace $0x90000046  }
0xb1: {  	s29 =	simm.s32 $0x9;
	_ =	strace $0x80000048  }
0xb2: {  	_ =	swait.ge [sflag:s29], $0x1  }
0xb3: {  	[sflag:s29] =	ssyncadd.s32 $0xFFFFFFFF  }
0xb4: {  	_ =	strace $0x90000048  }
0xb5: {  	_ =	sfence  }
0xb6: {  	s30 =	sld [smem:$0x0];
	_ =	sdelay $0x2  }
0xb7: {  	s31 =	sshll.u32 s1, $0xD;
	s1 =	sshrl.u32 s1, $0x2  }
0xb8: {  	s3 =	sand.u32 $0x4000, s31;
	s1 =	sadd.s32 s1, s30  }
0xb9: {  	s0 =	sor.u32 s3, s0;
	s1 =	sshll.u32 s1, $0x11  }
0xba: {  	s0 =	sor.u32 s1, s0  }
0xbb: {  	s0 =	sadd.s32 $0x8F2B, s0  }
0xbc: {  	[sflag:s0] =	ssyncadd.remote.s32 $0x1  }
0xbd: {  	_ =	sfence.sel $0xFFFF  }
0xbe: {  	[dreg:$0x0] =	wrdreg $0xFFFFFFFF;
	(pc) =	sbr.abs _section_cstart, $3  }
0xbf: {  	[dreg:$0x1] =	wrdreg $0xFFFFFFFF  }
0xc0: {  	_ =	task.clear_ibuf [dreg:s6], $0x2FFFF;
	_ =	strace $0x9FFFFFFF  }
0xc1: {  	(tm) =	ssettm $0x7FFFFFFF  }
tec
execute0_lowered:
.L_overlay_start_1:
0x0: {  	(tag) =	ssettag $0x1  }
0x1: {  	s1 =	stileid.u32  }
0x2: {  	p0 =	sgt.u32 s1, $0xC  }
.Ltmp0:
0x3: {  	_ = 	snop;
	(pc) =	sbr.rel @p0 .LBB2_7-.Ltmp0, $4  }
0x4: {  	_ = 	snop  }
0x5: {  	s3 =	rddreg [dreg:$0x0];
	s2 =	simm.s32 $0x0  }
0x6: {  	[smem:$0x7FF] =	sst s2  }
0x7: {  	s0 =	rddreg [dreg:$0x1];
	_ =	strace $0x80000047  }
0x8: {  	s4 =	srdreg.scid  }
0x9: {  	s5 =	sshll.u32 s1, $0x1;
	s4 =	sand.u32 $0x1, s4  }
0xa: {  	s5 =	sor.u32 s4, s5  }
0xb: {  	s7 =	sadd.s32 $0x600, s3;
	s6 =	smul.u32 $0x3200, s5  }
0xc: {  	s8 =	simm.s32 $0x2;
	s9 =	simm.s32 $0x0;
	s4 =	ssub.s32 $0x2, s4  }
0xd: {  	s30 =	sshrl.u32 s4, $0x1;
	s31 =	sshll.u32 s5, $0xB;
	s29 =	sadd.s32 s6, s3  }
0xe: {  	s6 =	ssub.s32 s4, s30;
	s4 =	sadd.s32 s7, s31;
	s7 =	simm.s32 $0x4000  }
0xf: {  	v0 =	vimm.s32 $0x0;
	s3 =	sadd.s32 $0xD600, s29;
	s5 =	smax.u32 s6, $0x1;
	s6 =	simm.s32 $0x1  }
.LBB2_2:
0x10: {  	s10 =	simm.s32 $0x0  }
0x11: {  	[tilespmem:s10], [sflag:$0x1] =	stream.linear.gather [hbm4b:s4+s10], $0x4000, $0x38;
	[tilespmem:$0x1D000] =	vst v63  }
0x12: {  	s11 =	simm.s32 $0x200;
	s10 =	simm.s32 $0x0  }
.LBB2_3:
0x13: {  	p0 =	sne.s32 s11, $0x63E00;
	[tilespmem:s10+$0x4070] =	vst v0  }
0x14: {  	[tilespmem:s10+$0x4000] =	vst v0  }
0x15: {  	[tilespmem:s10+$0x4010] =	vst v0  }
.Ltmp1:
0x16: {  	[tilespmem:s10+$0x4020] =	vst v0;
	(pc) =	sbr.rel @p0 .LBB2_3-.Ltmp1, $4  }
0x17: {  	[tilespmem:s10+$0x4030] =	vst v0  }
0x18: {  	[tilespmem:s10+$0x4040] =	vst v0  }
0x19: {  	[tilespmem:s10+$0x4050] =	vst v0  }
0x1a: {  	[tilespmem:s10+$0x4060] =	vst v0;
	s10 =	sshra.s32 s11, $0x2;
	s11 =	sadd.s32 $0x200, s11  }
0x1b: {  	[tilespmem:s10+$0x4070] =	vst v0  }
0x1c: {  	[tilespmem:s10+$0x4000] =	vst v0  }
0x1d: {  	[tilespmem:s10+$0x4010] =	vst v0  }
0x1e: {  	[tilespmem:s10+$0x4020] =	vst v0  }
0x1f: {  	[tilespmem:s10+$0x4030] =	vst v0  }
0x20: {  	[tilespmem:s10+$0x4040] =	vst v0  }
0x21: {  	[tilespmem:s10+$0x4050] =	vst v0  }
0x22: {  	[tilespmem:s10+$0x4060] =	vst v0  }
0x23: {  	_ =	swait.ge [sflag:s6], $0x4000  }
0x24: {  	[sflag:s6] =	ssyncset.done $0x0  }
0x25: {  	s31 =	simm.s32 $0x0;
	[sflag:s6] =	ssyncadd.s32 $0xFFFFC000  }
0x26: {  	v2 =	vld [tilespmem:s31+$0x0]  }
0x27: {  	v3 =	vld [tilespmem:s31+$0x10]  }
0x28: {  	v4 =	vld [tilespmem:s31+$0x20]  }
0x29: {  	v5 =	vld [tilespmem:s31+$0x30]  }
0x2a: {  	v6 =	vld [tilespmem:s31+$0x40]  }
0x2b: {  	v7 =	vld [tilespmem:s31+$0x50];
	(xrf1) =	vunique.msk.u32 $0xffff, v2  }
0x2c: {  	v8 =	vld [tilespmem:s31+$0x60];
	(xrf1) =	vunique.msk.u32 $0xffff, v3  }
0x2d: {  	(xrf1) =	vunique.msk.u32 $0xffff, v4  }
0x2e: {  	v1 =	vld [tilespmem:s31+$0x70];
	(xrf1) =	vunique.msk.u32 $0xffff, v5  }
0x2f: {  	(xrf1) =	vunique.msk.u32 $0xffff, v6  }
0x30: {  	(xrf1) =	vunique.msk.u32 $0xffff, v7  }
0x31: {  	(xrf1) =	vunique.msk.u32 $0xffff, v8;
	_ =	sdelay $0x1  }
0x32: {  	(xrf1) =	vunique.msk.u32 $0xffff, v1;
	_ =	sdelay $0x5  }
0x33: {  	_, v9, vm0 =	vpop (xrf1)  }
0x34: {  	_, v10, vm1 =	vpop (xrf1)  }
0x35: {  	_, v11, vm2 =	vpop (xrf1)  }
0x36: {  	_, v12, vm3 =	vpop (xrf1)  }
0x37: {  	_, v13, vm4 =	vpop (xrf1)  }
0x38: {  	_, v14, vm5 =	vpop (xrf1)  }
0x39: {  	[tilespmem:v2+s7+$0x0] =	vst.idx.add.s32.msk vm0, v9;
	_, v63, vm6 =	vpop (xrf1)  }
0x3a: {  	[tilespmem:v3+s7+$0x0] =	vst.idx.add.s32.msk vm1, v10  }
0x3b: {  	_, v2, vm0 =	vpop (xrf1);
	[tilespmem:v4+s7+$0x0] =	vst.idx.add.s32.msk vm2, v11  }
0x3c: {  	[tilespmem:v5+s7+$0x0] =	vst.idx.add.s32.msk vm3, v12  }
0x3d: {  	[tilespmem:v6+s7+$0x0] =	vst.idx.add.s32.msk vm4, v13  }
0x3e: {  	[tilespmem:v7+s7+$0x0] =	vst.idx.add.s32.msk vm5, v14  }
0x3f: {  	s10 =	simm.s32 $0x200;
	s11 =	simm.s32 $0x400;
	[tilespmem:v8+s7+$0x0] =	vst.idx.add.s32.msk vm6, v63  }
.LBB2_5:
0x40: {  	p0 =	sne.s32 s11, $0xFE00  }
0x41: {  	s12 =	sshra.s32 s10, $0x2;
	[tilespmem:v1+s7+$0x0] =	vst.idx.add.s32.msk vm0, v2;
	s10 =	smov.u32 s11;
	s11 =	sadd.s32 $0x200, s11  }
0x42: {  	v2 =	vld [tilespmem:s12+$0x0]  }
0x43: {  	v3 =	vld [tilespmem:s12+$0x10]  }
0x44: {  	v4 =	vld [tilespmem:s12+$0x20]  }
0x45: {  	v5 =	vld [tilespmem:s12+$0x30]  }
0x46: {  	v6 =	vld [tilespmem:s12+$0x40]  }
0x47: {  	v7 =	vld [tilespmem:s12+$0x50];
	(xrf1) =	vunique.msk.u32 $0xffff, v2  }
0x48: {  	v8 =	vld [tilespmem:s12+$0x60];
	(xrf1) =	vunique.msk.u32 $0xffff, v3  }
0x49: {  	v1 =	vld [tilespmem:s12+$0x70];
	(xrf1) =	vunique.msk.u32 $0xffff, v4  }
0x4a: {  	(xrf1) =	vunique.msk.u32 $0xffff, v5  }
0x4b: {  	(xrf1) =	vunique.msk.u32 $0xffff, v6  }
0x4c: {  	(xrf1) =	vunique.msk.u32 $0xffff, v7  }
0x4d: {  	(xrf1) =	vunique.msk.u32 $0xffff, v8  }
0x4e: {  	(xrf1) =	vunique.msk.u32 $0xffff, v1;
	_ =	sdelay $0x6  }
0x4f: {  	_, v9, vm0 =	vpop (xrf1)  }
0x50: {  	_, v10, vm1 =	vpop (xrf1)  }
0x51: {  	_, v11, vm2 =	vpop (xrf1)  }
0x52: {  	_, v12, vm3 =	vpop (xrf1)  }
0x53: {  	_, v13, vm4 =	vpop (xrf1)  }
0x54: {  	_, v14, vm5 =	vpop (xrf1)  }
0x55: {  	[tilespmem:v2+s7+$0x0] =	vst.idx.add.s32.msk vm0, v9;
	_, v9, vm6 =	vpop (xrf1)  }
0x56: {  	[tilespmem:v3+s7+$0x0] =	vst.idx.add.s32.msk vm1, v10;
	_, v2, vm0 =	vpop (xrf1)  }
.Ltmp2:
0x57: {  	[tilespmem:v4+s7+$0x0] =	vst.idx.add.s32.msk vm2, v11;
	(pc) =	sbr.rel @p0 .LBB2_5-.Ltmp2, $4  }
0x58: {  	[tilespmem:v5+s7+$0x0] =	vst.idx.add.s32.msk vm3, v12  }
0x59: {  	[tilespmem:v6+s7+$0x0] =	vst.idx.add.s32.msk vm4, v13  }
0x5a: {  	[tilespmem:v7+s7+$0x0] =	vst.idx.add.s32.msk vm5, v14  }
0x5b: {  	[tilespmem:v8+s7+$0x0] =	vst.idx.add.s32.msk vm6, v9  }
0x5c: {  	_ =	sdelay $0x4  }
0x5d: {  	s10 =	sshra.s32 s10, $0x2;
	[tilespmem:v1+s7+$0x0] =	vst.idx.add.s32.msk vm0, v2  }
0x5e: {  	v1 =	vld [tilespmem:s10+$0x0]  }
0x5f: {  	v2 =	vld [tilespmem:s10+$0x10]  }
0x60: {  	v3 =	vld [tilespmem:s10+$0x20]  }
0x61: {  	v4 =	vld [tilespmem:s10+$0x30]  }
0x62: {  	v5 =	vld [tilespmem:s10+$0x40]  }
0x63: {  	v6 =	vld [tilespmem:s10+$0x50];
	(xrf1) =	vunique.msk.u32 $0xffff, v1  }
0x64: {  	v7 =	vld [tilespmem:s10+$0x60];
	(xrf1) =	vunique.msk.u32 $0xffff, v2  }
0x65: {  	v8 =	vld [tilespmem:s10+$0x70];
	(xrf1) =	vunique.msk.u32 $0xffff, v3  }
0x66: {  	(xrf1) =	vunique.msk.u32 $0xffff, v4  }
0x67: {  	(xrf1) =	vunique.msk.u32 $0xffff, v5  }
0x68: {  	(xrf1) =	vunique.msk.u32 $0xffff, v6  }
0x69: {  	(xrf1) =	vunique.msk.u32 $0xffff, v7  }
0x6a: {  	(xrf1) =	vunique.msk.u32 $0xffff, v8;
	_ =	sdelay $0x6  }
0x6b: {  	_, v9, vm15 =	vpop (xrf1)  }
0x6c: {  	_, v10, vm1 =	vpop (xrf1)  }
0x6d: {  	_, v11, vm2 =	vpop (xrf1)  }
0x6e: {  	_, v12, vm3 =	vpop (xrf1)  }
0x6f: {  	_, v13, vm4 =	vpop (xrf1)  }
0x70: {  	_, v14, vm5 =	vpop (xrf1)  }
0x71: {  	[tilespmem:v1+s7+$0x0] =	vst.idx.add.s32.msk vm15, v9;
	_, v1, vm0 =	vpop (xrf1)  }
0x72: {  	[tilespmem:v2+s7+$0x0] =	vst.idx.add.s32.msk vm1, v10;
	_, v2, vm1 =	vpop (xrf1)  }
0x73: {  	[tilespmem:v3+s7+$0x0] =	vst.idx.add.s32.msk vm2, v11  }
0x74: {  	[tilespmem:v4+s7+$0x0] =	vst.idx.add.s32.msk vm3, v12  }
0x75: {  	[tilespmem:v5+s7+$0x0] =	vst.idx.add.s32.msk vm4, v13  }
0x76: {  	s9 =	sadd.s32 $0x1, s9;
	[tilespmem:v6+s7+$0x0] =	vst.idx.add.s32.msk vm5, v14  }
0x77: {  	p0 =	sne.s32 s9, s5;
	[tilespmem:v7+s7+$0x0] =	vst.idx.add.s32.msk vm0, v1  }
.Ltmp3:
0x78: {  	[tilespmem:v8+s7+$0x0] =	vst.idx.add.s32.msk vm1, v2;
	(pc) =	sbr.rel @p0 .LBB2_2-.Ltmp3, $4  }
0x79: {  	[hbm4b:s3+s2] =	stream.linear.scatter [tilespmem:s7], [sflag:$0x2], $0x19000, $0x38;
	[tilespmem:$0x1D000] =	vst v63  }
0x7a: {  	_ =	swait.ge [sflag:s8], $0x19000  }
0x7b: {  	[sflag:s8] =	ssyncset.done $0x0  }
0x7c: {  	[sflag:s8] =	ssyncadd.s32 $0xFFFE7000  }
.LBB2_7:
0x7d: {  	_ =	sfence.sel $0x180000  }
0x7e: {  	[bflag:$0x0] =	sbarrier.arrive $0xFFFF  }
0x7f: {  	p0 =	sne.s32 s1, $0x0;
	_ =	strace $0x90000047  }
0x80: {  	s0 =	sadd.s32 @!p0 $0x100000, s0;
	[bflag:$0x2] =	sbarrier.arrive $0xFFFF  }
0x81: {  	[sflag:s0] =	ssyncadd.tile.s32 @!p0 $0x1;
	_ =	shalt  }
.Lfunc_end2:
_tile_overlayer_lowered:
.L_overlay_start_2:
0x82: {  	(tag) =	ssettag $0x2  }
0x83: {  	s0 =	rddreg [dreg:$0x0];
	s2 =	stileid.u32  }
0x84: {  	s1 =	rddreg [dreg:$0x1];
	p0 =	sne.s32 s2, $0x0  }
0x85: {  	s3 =	rddreg [dreg:$0x2];
	[bflag:$0x3] =	sbarrier.arrive $0xFFFF;
	s2 =	simm.s32 @!p0 $0x1C02  }
0x86: {  	[timem:s3], [sflag:s2] =	dma.local @!p0 [hbm:s0], s1  }
0x87: {  	s0 =	simm.s32 @!p0 $0x2  }
0x88: {  	_ =	swait.ge @!p0 [sflag:s0], s1  }
0x89: {  	s1 =	ssub.s32 @!p0 $0x0, s1;
	[sflag:s0] =	ssyncset.done @!p0 $0x0  }
0x8a: {  	[sflag:s0] =	ssyncadd.s32 @!p0 s1  }
0x8b: {  	[bflag:$0x3] =	sbarrier.arrive $0xFFFF  }
0x8c: {  	_ =	shalt  }

</sc_bundles>
